<compile_context>
chip_gen: v7x
topology: tpu7x:2x2x1
jax: 0.10.2.dev20260603
libtpu: 0.0.44.dev20260713+nightly
codegen_flags: <defaults>
</compile_context>

<pallas_src>
import functools

import jax
import jax.numpy as jnp
from jax import lax
from jax.experimental import pallas as pl
from jax.experimental.pallas import tpu as pltpu
from jax.experimental.pallas import tpu_sc as plsc

B, T, H, W = 3, 300, 224, 224
NUM_SAMPLES = 32
NC, NS = 2, 16
NW = NC * NS
ROWS_PER_W = (B * NUM_SAMPLES) // NW


def _src_frame(r):
    b = r // NUM_SAMPLES
    j = r % NUM_SAMPLES
    t = (j * (T - 1)) // (NUM_SAMPLES - 1)
    return b, j, t


def _sc_body(x_hbm, out_hbm, buf_a, buf_b, sai, sbi, sao, sbo):
    wid = lax.axis_index("s") * NC + lax.axis_index("c")
    base = wid * ROWS_PER_W

    b0, j0, t0 = _src_frame(base)
    b1, j1, t1 = _src_frame(base + 1)
    b2, j2, t2 = _src_frame(base + 2)

    in0 = pltpu.async_copy(x_hbm.at[b0, t0], buf_a, sai)
    in1 = pltpu.async_copy(x_hbm.at[b1, t1], buf_b, sbi)
    in0.wait()
    out0 = pltpu.async_copy(buf_a, out_hbm.at[b0, j0], sao)
    in1.wait()
    out1 = pltpu.async_copy(buf_b, out_hbm.at[b1, j1], sbo)
    out0.wait()
    in2 = pltpu.async_copy(x_hbm.at[b2, t2], buf_a, sai)
    in2.wait()
    out2 = pltpu.async_copy(buf_a, out_hbm.at[b2, j2], sao)
    out1.wait()
    out2.wait()


@jax.jit
def kernel(x):
    mesh = plsc.VectorSubcoreMesh(core_axis_name="c", subcore_axis_name="s")
    run = functools.partial(
        pl.kernel,
        mesh=mesh,
        out_type=jax.ShapeDtypeStruct((B, NUM_SAMPLES, H, W), jnp.float32),
        scratch_types=[
            pltpu.VMEM((H, W), jnp.float32),
            pltpu.VMEM((H, W), jnp.float32),
            pltpu.SemaphoreType.DMA,
            pltpu.SemaphoreType.DMA,
            pltpu.SemaphoreType.DMA,
            pltpu.SemaphoreType.DMA,
        ],
    )(_sc_body)
    return run(x)

# --- scband reference (transcript-rebuilt; emitter-appended) ---
"""Pipeline reference for scband-temporal-segment-subsample-78743930404977 (READ-ONLY COPY).

The authoritative reference and input builder live on the scoring server;
editing this copy changes nothing except your own understanding.
"""

import jax, jax.numpy as jnp
import numpy as np

NUM_SEGMENTS = 8
FRAMES_PER_SEGMENT = 4
TEMPORAL_DIM = -3


def setup_inputs(seed: int = 0) -> dict:
    key = jax.random.key(seed)
    x = jax.random.normal(key, (3, 300, 224, 224), dtype=jnp.float32)
    return {"x": x}


def reference(x):
    # test_mode=True path: uniform_temporal_subsample with
    # num_samples = num_segments * frames_per_segment
    num_samples = NUM_SEGMENTS * FRAMES_PER_SEGMENT
    t = x.shape[TEMPORAL_DIM]
    indices = jnp.linspace(0.0, float(t - 1), num_samples)
    indices = jnp.clip(indices, 0.0, float(t - 1)).astype(jnp.int32)
    return jnp.take(x, indices, axis=TEMPORAL_DIM)

if __name__ == "__main__":
    import jax
    _d = setup_inputs()
    print(jax.jit(kernel)(*tuple(_d.values())))

</pallas_src>

<mosaic_0001>
#map = affine_map<(d0, d1) -> (0, 0, 0, 0)>
module attributes {stable_mosaic.version = 14 : i64} {
  func.func @_sc_body(%arg0: i32, %arg1: i32, %arg2: memref<3x300x224x224xf32, #tpu.memory_space<hbm>>, %arg3: memref<3x32x224x224xf32, #tpu.memory_space<hbm>>, %arg4: memref<224x224xf32, #tpu.memory_space<vmem>>, %arg5: memref<224x224xf32, #tpu.memory_space<vmem>>, %arg6: memref<!tpu.dma_semaphore, #tpu.memory_space<semaphore_mem>>, %arg7: memref<!tpu.dma_semaphore, #tpu.memory_space<semaphore_mem>>, %arg8: memref<!tpu.dma_semaphore, #tpu.memory_space<semaphore_mem>>, %arg9: memref<!tpu.dma_semaphore, #tpu.memory_space<semaphore_mem>>) attributes {dimension_semantics = [#tpu.dimension_semantics<core_parallel>, #tpu.dimension_semantics<subcore_parallel>], iteration_bounds = array<i64: 2, 16>, scalar_prefetch = 0 : i64, scratch_operands = 6 : i64, tpu.core_type = #tpu.core_type<sc_vector_subcore>, window_params = [{transform_indices = #map}, {transform_indices = #map}]} {
    %mul3A = arith.constant 2 : i32
    %mul3A_0 = arith.muli %arg1, %mul3A : i32
    %add3A = arith.addi %mul3A_0, %arg0 : i32
    %mul3A_1 = arith.constant 3 : i32
    %mul3A_2 = arith.muli %add3A, %mul3A_1 : i32
    %jit3A = arith.constant 32 : i32
    %div3A = arith.divsi %mul3A_2, %jit3A : i32
    %sign3A = arith.constant 0 : i32
    %sign3A_3 = arith.cmpi sgt, %mul3A_2, %sign3A : i32
    %sign3A_4 = arith.extui %sign3A_3 : i1 to i32
    %sign3A_5 = arith.constant 0 : i32
    %sign3A_6 = arith.cmpi slt, %mul3A_2, %sign3A_5 : i32
    %sign3A_7 = arith.extui %sign3A_6 : i1 to i32
    %sign3A_8 = arith.subi %sign3A_4, %sign3A_7 : i32
    %sign3A_9 = arith.constant 0 : i32
    %sign3A_10 = arith.cmpi sgt, %jit3A, %sign3A_9 : i32
    %sign3A_11 = arith.extui %sign3A_10 : i1 to i32
    %sign3A_12 = arith.constant 0 : i32
    %sign3A_13 = arith.cmpi slt, %jit3A, %sign3A_12 : i32
    %sign3A_14 = arith.extui %sign3A_13 : i1 to i32
    %sign3A_15 = arith.subi %sign3A_11, %sign3A_14 : i32
    %ne3A = arith.cmpi ne, %sign3A_8, %sign3A_15 : i32
    %rem3A = arith.remsi %mul3A_2, %jit3A : i32
    %ne3A_16 = arith.constant 0 : i32
    %ne3A_17 = arith.cmpi ne, %rem3A, %ne3A_16 : i32
    %and3A = arith.andi %ne3A, %ne3A_17 : i1
    %sub3A = arith.constant 1 : i32
    %sub3A_18 = arith.subi %div3A, %sub3A : i32
    %select_n3A = arith.select %and3A, %sub3A_18, %div3A : i32
    %jit3A_19 = arith.constant 32 : i32
    %eq3A = arith.constant 0 : i32
    %eq3A_20 = arith.cmpi eq, %jit3A_19, %eq3A : i32
    %jit3A_21 = arith.constant 1 : i32
    %select_n3A_22 = arith.select %eq3A_20, %jit3A_21, %jit3A_19 : i32
    %rem3A_23 = arith.remsi %mul3A_2, %select_n3A_22 : i32
    %ne3A_24 = arith.constant 0 : i32
    %ne3A_25 = arith.cmpi ne, %rem3A_23, %ne3A_24 : i32
    %lt3A = arith.constant 0 : i32
    %lt3A_26 = arith.cmpi slt, %rem3A_23, %lt3A : i32
    %lt3A_27 = arith.constant 0 : i32
    %lt3A_28 = arith.cmpi slt, %select_n3A_22, %lt3A_27 : i32
    %ne3A_29 = arith.xori %lt3A_26, %lt3A_28 : i1
    %and3A_30 = arith.andi %ne3A_29, %ne3A_25 : i1
    %add3A_31 = arith.addi %rem3A_23, %select_n3A_22 : i32
    %select_n3A_32 = arith.select %and3A_30, %add3A_31, %rem3A_23 : i32
    %mul3A_33 = arith.constant 299 : i32
    %mul3A_34 = arith.muli %select_n3A_32, %mul3A_33 : i32
    %jit3A_35 = arith.constant 31 : i32
    %div3A_36 = arith.divsi %mul3A_34, %jit3A_35 : i32
    %sign3A_37 = arith.constant 0 : i32
    %sign3A_38 = arith.cmpi sgt, %mul3A_34, %sign3A_37 : i32
    %sign3A_39 = arith.extui %sign3A_38 : i1 to i32
    %sign3A_40 = arith.constant 0 : i32
    %sign3A_41 = arith.cmpi slt, %mul3A_34, %sign3A_40 : i32
    %sign3A_42 = arith.extui %sign3A_41 : i1 to i32
    %sign3A_43 = arith.subi %sign3A_39, %sign3A_42 : i32
    %sign3A_44 = arith.constant 0 : i32
    %sign3A_45 = arith.cmpi sgt, %jit3A_35, %sign3A_44 : i32
    %sign3A_46 = arith.extui %sign3A_45 : i1 to i32
    %sign3A_47 = arith.constant 0 : i32
    %sign3A_48 = arith.cmpi slt, %jit3A_35, %sign3A_47 : i32
    %sign3A_49 = arith.extui %sign3A_48 : i1 to i32
    %sign3A_50 = arith.subi %sign3A_46, %sign3A_49 : i32
    %ne3A_51 = arith.cmpi ne, %sign3A_43, %sign3A_50 : i32
    %rem3A_52 = arith.remsi %mul3A_34, %jit3A_35 : i32
    %ne3A_53 = arith.constant 0 : i32
    %ne3A_54 = arith.cmpi ne, %rem3A_52, %ne3A_53 : i32
    %and3A_55 = arith.andi %ne3A_51, %ne3A_54 : i1
    %sub3A_56 = arith.constant 1 : i32
    %sub3A_57 = arith.subi %div3A_36, %sub3A_56 : i32
    %select_n3A_58 = arith.select %and3A_55, %sub3A_57, %div3A_36 : i32
    %add3A_59 = arith.constant 1 : i32
    %add3A_60 = arith.addi %mul3A_2, %add3A_59 : i32
    %jit3A_61 = arith.constant 32 : i32
    %div3A_62 = arith.divsi %add3A_60, %jit3A_61 : i32
    %sign3A_63 = arith.constant 0 : i32
    %sign3A_64 = arith.cmpi sgt, %add3A_60, %sign3A_63 : i32
    %sign3A_65 = arith.extui %sign3A_64 : i1 to i32
    %sign3A_66 = arith.constant 0 : i32
    %sign3A_67 = arith.cmpi slt, %add3A_60, %sign3A_66 : i32
    %sign3A_68 = arith.extui %sign3A_67 : i1 to i32
    %sign3A_69 = arith.subi %sign3A_65, %sign3A_68 : i32
    %sign3A_70 = arith.constant 0 : i32
    %sign3A_71 = arith.cmpi sgt, %jit3A_61, %sign3A_70 : i32
    %sign3A_72 = arith.extui %sign3A_71 : i1 to i32
    %sign3A_73 = arith.constant 0 : i32
    %sign3A_74 = arith.cmpi slt, %jit3A_61, %sign3A_73 : i32
    %sign3A_75 = arith.extui %sign3A_74 : i1 to i32
    %sign3A_76 = arith.subi %sign3A_72, %sign3A_75 : i32
    %ne3A_77 = arith.cmpi ne, %sign3A_69, %sign3A_76 : i32
    %rem3A_78 = arith.remsi %add3A_60, %jit3A_61 : i32
    %ne3A_79 = arith.constant 0 : i32
    %ne3A_80 = arith.cmpi ne, %rem3A_78, %ne3A_79 : i32
    %and3A_81 = arith.andi %ne3A_77, %ne3A_80 : i1
    %sub3A_82 = arith.constant 1 : i32
    %sub3A_83 = arith.subi %div3A_62, %sub3A_82 : i32
    %select_n3A_84 = arith.select %and3A_81, %sub3A_83, %div3A_62 : i32
    %jit3A_85 = arith.constant 32 : i32
    %eq3A_86 = arith.constant 0 : i32
    %eq3A_87 = arith.cmpi eq, %jit3A_85, %eq3A_86 : i32
    %jit3A_88 = arith.constant 1 : i32
    %select_n3A_89 = arith.select %eq3A_87, %jit3A_88, %jit3A_85 : i32
    %rem3A_90 = arith.remsi %add3A_60, %select_n3A_89 : i32
    %ne3A_91 = arith.constant 0 : i32
    %ne3A_92 = arith.cmpi ne, %rem3A_90, %ne3A_91 : i32
    %lt3A_93 = arith.constant 0 : i32
    %lt3A_94 = arith.cmpi slt, %rem3A_90, %lt3A_93 : i32
    %lt3A_95 = arith.constant 0 : i32
    %lt3A_96 = arith.cmpi slt, %select_n3A_89, %lt3A_95 : i32
    %ne3A_97 = arith.xori %lt3A_94, %lt3A_96 : i1
    %and3A_98 = arith.andi %ne3A_97, %ne3A_92 : i1
    %add3A_99 = arith.addi %rem3A_90, %select_n3A_89 : i32
    %select_n3A_100 = arith.select %and3A_98, %add3A_99, %rem3A_90 : i32
    %mul3A_101 = arith.constant 299 : i32
    %mul3A_102 = arith.muli %select_n3A_100, %mul3A_101 : i32
    %jit3A_103 = arith.constant 31 : i32
    %div3A_104 = arith.divsi %mul3A_102, %jit3A_103 : i32
    %sign3A_105 = arith.constant 0 : i32
    %sign3A_106 = arith.cmpi sgt, %mul3A_102, %sign3A_105 : i32
    %sign3A_107 = arith.extui %sign3A_106 : i1 to i32
    %sign3A_108 = arith.constant 0 : i32
    %sign3A_109 = arith.cmpi slt, %mul3A_102, %sign3A_108 : i32
    %sign3A_110 = arith.extui %sign3A_109 : i1 to i32
    %sign3A_111 = arith.subi %sign3A_107, %sign3A_110 : i32
    %sign3A_112 = arith.constant 0 : i32
    %sign3A_113 = arith.cmpi sgt, %jit3A_103, %sign3A_112 : i32
    %sign3A_114 = arith.extui %sign3A_113 : i1 to i32
    %sign3A_115 = arith.constant 0 : i32
    %sign3A_116 = arith.cmpi slt, %jit3A_103, %sign3A_115 : i32
    %sign3A_117 = arith.extui %sign3A_116 : i1 to i32
    %sign3A_118 = arith.subi %sign3A_114, %sign3A_117 : i32
    %ne3A_119 = arith.cmpi ne, %sign3A_111, %sign3A_118 : i32
    %rem3A_120 = arith.remsi %mul3A_102, %jit3A_103 : i32
    %ne3A_121 = arith.constant 0 : i32
    %ne3A_122 = arith.cmpi ne, %rem3A_120, %ne3A_121 : i32
    %and3A_123 = arith.andi %ne3A_119, %ne3A_122 : i1
    %sub3A_124 = arith.constant 1 : i32
    %sub3A_125 = arith.subi %div3A_104, %sub3A_124 : i32
    %select_n3A_126 = arith.select %and3A_123, %sub3A_125, %div3A_104 : i32
    %add3A_127 = arith.constant 2 : i32
    %add3A_128 = arith.addi %mul3A_2, %add3A_127 : i32
    %jit3A_129 = arith.constant 32 : i32
    %div3A_130 = arith.divsi %add3A_128, %jit3A_129 : i32
    %sign3A_131 = arith.constant 0 : i32
    %sign3A_132 = arith.cmpi sgt, %add3A_128, %sign3A_131 : i32
    %sign3A_133 = arith.extui %sign3A_132 : i1 to i32
    %sign3A_134 = arith.constant 0 : i32
    %sign3A_135 = arith.cmpi slt, %add3A_128, %sign3A_134 : i32
    %sign3A_136 = arith.extui %sign3A_135 : i1 to i32
    %sign3A_137 = arith.subi %sign3A_133, %sign3A_136 : i32
    %sign3A_138 = arith.constant 0 : i32
    %sign3A_139 = arith.cmpi sgt, %jit3A_129, %sign3A_138 : i32
    %sign3A_140 = arith.extui %sign3A_139 : i1 to i32
    %sign3A_141 = arith.constant 0 : i32
    %sign3A_142 = arith.cmpi slt, %jit3A_129, %sign3A_141 : i32
    %sign3A_143 = arith.extui %sign3A_142 : i1 to i32
    %sign3A_144 = arith.subi %sign3A_140, %sign3A_143 : i32
    %ne3A_145 = arith.cmpi ne, %sign3A_137, %sign3A_144 : i32
    %rem3A_146 = arith.remsi %add3A_128, %jit3A_129 : i32
    %ne3A_147 = arith.constant 0 : i32
    %ne3A_148 = arith.cmpi ne, %rem3A_146, %ne3A_147 : i32
    %and3A_149 = arith.andi %ne3A_145, %ne3A_148 : i1
    %sub3A_150 = arith.constant 1 : i32
    %sub3A_151 = arith.subi %div3A_130, %sub3A_150 : i32
    %select_n3A_152 = arith.select %and3A_149, %sub3A_151, %div3A_130 : i32
    %jit3A_153 = arith.constant 32 : i32
    %eq3A_154 = arith.constant 0 : i32
    %eq3A_155 = arith.cmpi eq, %jit3A_153, %eq3A_154 : i32
    %jit3A_156 = arith.constant 1 : i32
    %select_n3A_157 = arith.select %eq3A_155, %jit3A_156, %jit3A_153 : i32
    %rem3A_158 = arith.remsi %add3A_128, %select_n3A_157 : i32
    %ne3A_159 = arith.constant 0 : i32
    %ne3A_160 = arith.cmpi ne, %rem3A_158, %ne3A_159 : i32
    %lt3A_161 = arith.constant 0 : i32
    %lt3A_162 = arith.cmpi slt, %rem3A_158, %lt3A_161 : i32
    %lt3A_163 = arith.constant 0 : i32
    %lt3A_164 = arith.cmpi slt, %select_n3A_157, %lt3A_163 : i32
    %ne3A_165 = arith.xori %lt3A_162, %lt3A_164 : i1
    %and3A_166 = arith.andi %ne3A_165, %ne3A_160 : i1
    %add3A_167 = arith.addi %rem3A_158, %select_n3A_157 : i32
    %select_n3A_168 = arith.select %and3A_166, %add3A_167, %rem3A_158 : i32
    %mul3A_169 = arith.constant 299 : i32
    %mul3A_170 = arith.muli %select_n3A_168, %mul3A_169 : i32
    %jit3A_171 = arith.constant 31 : i32
    %div3A_172 = arith.divsi %mul3A_170, %jit3A_171 : i32
    %sign3A_173 = arith.constant 0 : i32
    %sign3A_174 = arith.cmpi sgt, %mul3A_170, %sign3A_173 : i32
    %sign3A_175 = arith.extui %sign3A_174 : i1 to i32
    %sign3A_176 = arith.constant 0 : i32
    %sign3A_177 = arith.cmpi slt, %mul3A_170, %sign3A_176 : i32
    %sign3A_178 = arith.extui %sign3A_177 : i1 to i32
    %sign3A_179 = arith.subi %sign3A_175, %sign3A_178 : i32
    %sign3A_180 = arith.constant 0 : i32
    %sign3A_181 = arith.cmpi sgt, %jit3A_171, %sign3A_180 : i32
    %sign3A_182 = arith.extui %sign3A_181 : i1 to i32
    %sign3A_183 = arith.constant 0 : i32
    %sign3A_184 = arith.cmpi slt, %jit3A_171, %sign3A_183 : i32
    %sign3A_185 = arith.extui %sign3A_184 : i1 to i32
    %sign3A_186 = arith.subi %sign3A_182, %sign3A_185 : i32
    %ne3A_187 = arith.cmpi ne, %sign3A_179, %sign3A_186 : i32
    %rem3A_188 = arith.remsi %mul3A_170, %jit3A_171 : i32
    %ne3A_189 = arith.constant 0 : i32
    %ne3A_190 = arith.cmpi ne, %rem3A_188, %ne3A_189 : i32
    %and3A_191 = arith.andi %ne3A_187, %ne3A_190 : i1
    %sub3A_192 = arith.constant 1 : i32
    %sub3A_193 = arith.subi %div3A_172, %sub3A_192 : i32
    %select_n3A_194 = arith.select %and3A_191, %sub3A_193, %div3A_172 : i32
    %dma_start3A = arith.constant 0 : i32
    %dma_start3A_195 = arith.constant 0 : i32
    %dma_start3A_196 = tpu.memref_slice %arg2[%select_n3A, %select_n3A_58, %dma_start3A, %dma_start3A_195] : memref<3x300x224x224xf32, #tpu.memory_space<hbm>> -> memref<1x1x224x224xf32, #tpu.memory_space<hbm>>
    %dma_start3A_197 = tpu.memref_squeeze %dma_start3A_196 : memref<1x1x224x224xf32, #tpu.memory_space<hbm>> -> memref<224x224xf32, #tpu.memory_space<hbm>>
    %dma_start3A_198 = arith.constant 0 : i32
    %dma_start3A_199 = arith.constant 0 : i32
    %dma_start3A_200 = tpu.memref_slice %arg2[%select_n3A, %select_n3A_58, %dma_start3A_198, %dma_start3A_199] : memref<3x300x224x224xf32, #tpu.memory_space<hbm>> -> memref<1x1x224x224xf32, #tpu.memory_space<hbm>>
    %dma_start3A_201 = tpu.memref_squeeze %dma_start3A_200 : memref<1x1x224x224xf32, #tpu.memory_space<hbm>> -> memref<224x224xf32, #tpu.memory_space<hbm>>
    tpu.enqueue_dma source(%dma_start3A_201 : memref<224x224xf32, #tpu.memory_space<hbm>>) target(%arg4 : memref<224x224xf32, #tpu.memory_space<vmem>>) target_semaphore(%arg6 : memref<!tpu.dma_semaphore, #tpu.memory_space<semaphore_mem>>)
    %dma_start3A_202 = arith.constant 0 : i32
    %dma_start3A_203 = arith.constant 0 : i32
    %dma_start3A_204 = tpu.memref_slice %arg2[%select_n3A_84, %select_n3A_126, %dma_start3A_202, %dma_start3A_203] : memref<3x300x224x224xf32, #tpu.memory_space<hbm>> -> memref<1x1x224x224xf32, #tpu.memory_space<hbm>>
    %dma_start3A_205 = tpu.memref_squeeze %dma_start3A_204 : memref<1x1x224x224xf32, #tpu.memory_space<hbm>> -> memref<224x224xf32, #tpu.memory_space<hbm>>
    %dma_start3A_206 = arith.constant 0 : i32
    %dma_start3A_207 = arith.constant 0 : i32
    %dma_start3A_208 = tpu.memref_slice %arg2[%select_n3A_84, %select_n3A_126, %dma_start3A_206, %dma_start3A_207] : memref<3x300x224x224xf32, #tpu.memory_space<hbm>> -> memref<1x1x224x224xf32, #tpu.memory_space<hbm>>
    %dma_start3A_209 = tpu.memref_squeeze %dma_start3A_208 : memref<1x1x224x224xf32, #tpu.memory_space<hbm>> -> memref<224x224xf32, #tpu.memory_space<hbm>>
    tpu.enqueue_dma source(%dma_start3A_209 : memref<224x224xf32, #tpu.memory_space<hbm>>) target(%arg5 : memref<224x224xf32, #tpu.memory_space<vmem>>) target_semaphore(%arg7 : memref<!tpu.dma_semaphore, #tpu.memory_space<semaphore_mem>>)
    %dma_wait3A = arith.constant 0 : i32
    %dma_wait3A_210 = arith.constant 0 : i32
    %dma_wait3A_211 = tpu.memref_slice %arg2[%select_n3A, %select_n3A_58, %dma_wait3A, %dma_wait3A_210] : memref<3x300x224x224xf32, #tpu.memory_space<hbm>> -> memref<1x1x224x224xf32, #tpu.memory_space<hbm>>
    %dma_wait3A_212 = tpu.memref_squeeze %dma_wait3A_211 : memref<1x1x224x224xf32, #tpu.memory_space<hbm>> -> memref<224x224xf32, #tpu.memory_space<hbm>>
    %dma_wait3A_213 = arith.constant 0 : i32
    %dma_wait3A_214 = arith.constant 0 : i32
    %dma_wait3A_215 = tpu.memref_slice %arg2[%select_n3A, %select_n3A_58, %dma_wait3A_213, %dma_wait3A_214] : memref<3x300x224x224xf32, #tpu.memory_space<hbm>> -> memref<1x1x224x224xf32, #tpu.memory_space<hbm>>
    %dma_wait3A_216 = tpu.memref_squeeze %dma_wait3A_215 : memref<1x1x224x224xf32, #tpu.memory_space<hbm>> -> memref<224x224xf32, #tpu.memory_space<hbm>>
    tpu.wait_dma2 semaphore(%arg6 : memref<!tpu.dma_semaphore, #tpu.memory_space<semaphore_mem>>) src(%dma_wait3A_216 : memref<224x224xf32, #tpu.memory_space<hbm>>) dst(%arg4 : memref<224x224xf32, #tpu.memory_space<vmem>>)
    %dma_start3A_217 = arith.constant 0 : i32
    %dma_start3A_218 = arith.constant 0 : i32
    %dma_start3A_219 = tpu.memref_slice %arg3[%select_n3A, %select_n3A_32, %dma_start3A_217, %dma_start3A_218] : memref<3x32x224x224xf32, #tpu.memory_space<hbm>> -> memref<1x1x224x224xf32, #tpu.memory_space<hbm>>
    %dma_start3A_220 = tpu.memref_squeeze %dma_start3A_219 : memref<1x1x224x224xf32, #tpu.memory_space<hbm>> -> memref<224x224xf32, #tpu.memory_space<hbm>>
    %dma_start3A_221 = arith.constant 0 : i32
    %dma_start3A_222 = arith.constant 0 : i32
    %dma_start3A_223 = tpu.memref_slice %arg3[%select_n3A, %select_n3A_32, %dma_start3A_221, %dma_start3A_222] : memref<3x32x224x224xf32, #tpu.memory_space<hbm>> -> memref<1x1x224x224xf32, #tpu.memory_space<hbm>>
    %dma_start3A_224 = tpu.memref_squeeze %dma_start3A_223 : memref<1x1x224x224xf32, #tpu.memory_space<hbm>> -> memref<224x224xf32, #tpu.memory_space<hbm>>
    tpu.enqueue_dma source(%arg4 : memref<224x224xf32, #tpu.memory_space<vmem>>) target(%dma_start3A_224 : memref<224x224xf32, #tpu.memory_space<hbm>>) target_semaphore(%arg8 : memref<!tpu.dma_semaphore, #tpu.memory_space<semaphore_mem>>)
    %dma_wait3A_225 = arith.constant 0 : i32
    %dma_wait3A_226 = arith.constant 0 : i32
    %dma_wait3A_227 = tpu.memref_slice %arg2[%select_n3A_84, %select_n3A_126, %dma_wait3A_225, %dma_wait3A_226] : memref<3x300x224x224xf32, #tpu.memory_space<hbm>> -> memref<1x1x224x224xf32, #tpu.memory_space<hbm>>
    %dma_wait3A_228 = tpu.memref_squeeze %dma_wait3A_227 : memref<1x1x224x224xf32, #tpu.memory_space<hbm>> -> memref<224x224xf32, #tpu.memory_space<hbm>>
    %dma_wait3A_229 = arith.constant 0 : i32
    %dma_wait3A_230 = arith.constant 0 : i32
    %dma_wait3A_231 = tpu.memref_slice %arg2[%select_n3A_84, %select_n3A_126, %dma_wait3A_229, %dma_wait3A_230] : memref<3x300x224x224xf32, #tpu.memory_space<hbm>> -> memref<1x1x224x224xf32, #tpu.memory_space<hbm>>
    %dma_wait3A_232 = tpu.memref_squeeze %dma_wait3A_231 : memref<1x1x224x224xf32, #tpu.memory_space<hbm>> -> memref<224x224xf32, #tpu.memory_space<hbm>>
    tpu.wait_dma2 semaphore(%arg7 : memref<!tpu.dma_semaphore, #tpu.memory_space<semaphore_mem>>) src(%dma_wait3A_232 : memref<224x224xf32, #tpu.memory_space<hbm>>) dst(%arg5 : memref<224x224xf32, #tpu.memory_space<vmem>>)
    %dma_start3A_233 = arith.constant 0 : i32
    %dma_start3A_234 = arith.constant 0 : i32
    %dma_start3A_235 = tpu.memref_slice %arg3[%select_n3A_84, %select_n3A_100, %dma_start3A_233, %dma_start3A_234] : memref<3x32x224x224xf32, #tpu.memory_space<hbm>> -> memref<1x1x224x224xf32, #tpu.memory_space<hbm>>
    %dma_start3A_236 = tpu.memref_squeeze %dma_start3A_235 : memref<1x1x224x224xf32, #tpu.memory_space<hbm>> -> memref<224x224xf32, #tpu.memory_space<hbm>>
    %dma_start3A_237 = arith.constant 0 : i32
    %dma_start3A_238 = arith.constant 0 : i32
    %dma_start3A_239 = tpu.memref_slice %arg3[%select_n3A_84, %select_n3A_100, %dma_start3A_237, %dma_start3A_238] : memref<3x32x224x224xf32, #tpu.memory_space<hbm>> -> memref<1x1x224x224xf32, #tpu.memory_space<hbm>>
    %dma_start3A_240 = tpu.memref_squeeze %dma_start3A_239 : memref<1x1x224x224xf32, #tpu.memory_space<hbm>> -> memref<224x224xf32, #tpu.memory_space<hbm>>
    tpu.enqueue_dma source(%arg5 : memref<224x224xf32, #tpu.memory_space<vmem>>) target(%dma_start3A_240 : memref<224x224xf32, #tpu.memory_space<hbm>>) target_semaphore(%arg9 : memref<!tpu.dma_semaphore, #tpu.memory_space<semaphore_mem>>)
    %dma_wait3A_241 = arith.constant 0 : i32
    %dma_wait3A_242 = arith.constant 0 : i32
    %dma_wait3A_243 = tpu.memref_slice %arg3[%select_n3A, %select_n3A_32, %dma_wait3A_241, %dma_wait3A_242] : memref<3x32x224x224xf32, #tpu.memory_space<hbm>> -> memref<1x1x224x224xf32, #tpu.memory_space<hbm>>
    %dma_wait3A_244 = tpu.memref_squeeze %dma_wait3A_243 : memref<1x1x224x224xf32, #tpu.memory_space<hbm>> -> memref<224x224xf32, #tpu.memory_space<hbm>>
    %dma_wait3A_245 = arith.constant 0 : i32
    %dma_wait3A_246 = arith.constant 0 : i32
    %dma_wait3A_247 = tpu.memref_slice %arg3[%select_n3A, %select_n3A_32, %dma_wait3A_245, %dma_wait3A_246] : memref<3x32x224x224xf32, #tpu.memory_space<hbm>> -> memref<1x1x224x224xf32, #tpu.memory_space<hbm>>
    %dma_wait3A_248 = tpu.memref_squeeze %dma_wait3A_247 : memref<1x1x224x224xf32, #tpu.memory_space<hbm>> -> memref<224x224xf32, #tpu.memory_space<hbm>>
    tpu.wait_dma2 semaphore(%arg8 : memref<!tpu.dma_semaphore, #tpu.memory_space<semaphore_mem>>) src(%arg4 : memref<224x224xf32, #tpu.memory_space<vmem>>) dst(%dma_wait3A_248 : memref<224x224xf32, #tpu.memory_space<hbm>>)
    %dma_start3A_249 = arith.constant 0 : i32
    %dma_start3A_250 = arith.constant 0 : i32
    %dma_start3A_251 = tpu.memref_slice %arg2[%select_n3A_152, %select_n3A_194, %dma_start3A_249, %dma_start3A_250] : memref<3x300x224x224xf32, #tpu.memory_space<hbm>> -> memref<1x1x224x224xf32, #tpu.memory_space<hbm>>
    %dma_start3A_252 = tpu.memref_squeeze %dma_start3A_251 : memref<1x1x224x224xf32, #tpu.memory_space<hbm>> -> memref<224x224xf32, #tpu.memory_space<hbm>>
    %dma_start3A_253 = arith.constant 0 : i32
    %dma_start3A_254 = arith.constant 0 : i32
    %dma_start3A_255 = tpu.memref_slice %arg2[%select_n3A_152, %select_n3A_194, %dma_start3A_253, %dma_start3A_254] : memref<3x300x224x224xf32, #tpu.memory_space<hbm>> -> memref<1x1x224x224xf32, #tpu.memory_space<hbm>>
    %dma_start3A_256 = tpu.memref_squeeze %dma_start3A_255 : memref<1x1x224x224xf32, #tpu.memory_space<hbm>> -> memref<224x224xf32, #tpu.memory_space<hbm>>
    tpu.enqueue_dma source(%dma_start3A_256 : memref<224x224xf32, #tpu.memory_space<hbm>>) target(%arg4 : memref<224x224xf32, #tpu.memory_space<vmem>>) target_semaphore(%arg6 : memref<!tpu.dma_semaphore, #tpu.memory_space<semaphore_mem>>)
    %dma_wait3A_257 = arith.constant 0 : i32
    %dma_wait3A_258 = arith.constant 0 : i32
    %dma_wait3A_259 = tpu.memref_slice %arg2[%select_n3A_152, %select_n3A_194, %dma_wait3A_257, %dma_wait3A_258] : memref<3x300x224x224xf32, #tpu.memory_space<hbm>> -> memref<1x1x224x224xf32, #tpu.memory_space<hbm>>
    %dma_wait3A_260 = tpu.memref_squeeze %dma_wait3A_259 : memref<1x1x224x224xf32, #tpu.memory_space<hbm>> -> memref<224x224xf32, #tpu.memory_space<hbm>>
    %dma_wait3A_261 = arith.constant 0 : i32
    %dma_wait3A_262 = arith.constant 0 : i32
    %dma_wait3A_263 = tpu.memref_slice %arg2[%select_n3A_152, %select_n3A_194, %dma_wait3A_261, %dma_wait3A_262] : memref<3x300x224x224xf32, #tpu.memory_space<hbm>> -> memref<1x1x224x224xf32, #tpu.memory_space<hbm>>
    %dma_wait3A_264 = tpu.memref_squeeze %dma_wait3A_263 : memref<1x1x224x224xf32, #tpu.memory_space<hbm>> -> memref<224x224xf32, #tpu.memory_space<hbm>>
    tpu.wait_dma2 semaphore(%arg6 : memref<!tpu.dma_semaphore, #tpu.memory_space<semaphore_mem>>) src(%dma_wait3A_264 : memref<224x224xf32, #tpu.memory_space<hbm>>) dst(%arg4 : memref<224x224xf32, #tpu.memory_space<vmem>>)
    %dma_start3A_265 = arith.constant 0 : i32
    %dma_start3A_266 = arith.constant 0 : i32
    %dma_start3A_267 = tpu.memref_slice %arg3[%select_n3A_152, %select_n3A_168, %dma_start3A_265, %dma_start3A_266] : memref<3x32x224x224xf32, #tpu.memory_space<hbm>> -> memref<1x1x224x224xf32, #tpu.memory_space<hbm>>
    %dma_start3A_268 = tpu.memref_squeeze %dma_start3A_267 : memref<1x1x224x224xf32, #tpu.memory_space<hbm>> -> memref<224x224xf32, #tpu.memory_space<hbm>>
    %dma_start3A_269 = arith.constant 0 : i32
    %dma_start3A_270 = arith.constant 0 : i32
    %dma_start3A_271 = tpu.memref_slice %arg3[%select_n3A_152, %select_n3A_168, %dma_start3A_269, %dma_start3A_270] : memref<3x32x224x224xf32, #tpu.memory_space<hbm>> -> memref<1x1x224x224xf32, #tpu.memory_space<hbm>>
    %dma_start3A_272 = tpu.memref_squeeze %dma_start3A_271 : memref<1x1x224x224xf32, #tpu.memory_space<hbm>> -> memref<224x224xf32, #tpu.memory_space<hbm>>
    tpu.enqueue_dma source(%arg4 : memref<224x224xf32, #tpu.memory_space<vmem>>) target(%dma_start3A_272 : memref<224x224xf32, #tpu.memory_space<hbm>>) target_semaphore(%arg8 : memref<!tpu.dma_semaphore, #tpu.memory_space<semaphore_mem>>)
    %dma_wait3A_273 = arith.constant 0 : i32
    %dma_wait3A_274 = arith.constant 0 : i32
    %dma_wait3A_275 = tpu.memref_slice %arg3[%select_n3A_84, %select_n3A_100, %dma_wait3A_273, %dma_wait3A_274] : memref<3x32x224x224xf32, #tpu.memory_space<hbm>> -> memref<1x1x224x224xf32, #tpu.memory_space<hbm>>
    %dma_wait3A_276 = tpu.memref_squeeze %dma_wait3A_275 : memref<1x1x224x224xf32, #tpu.memory_space<hbm>> -> memref<224x224xf32, #tpu.memory_space<hbm>>
    %dma_wait3A_277 = arith.constant 0 : i32
    %dma_wait3A_278 = arith.constant 0 : i32
    %dma_wait3A_279 = tpu.memref_slice %arg3[%select_n3A_84, %select_n3A_100, %dma_wait3A_277, %dma_wait3A_278] : memref<3x32x224x224xf32, #tpu.memory_space<hbm>> -> memref<1x1x224x224xf32, #tpu.memory_space<hbm>>
    %dma_wait3A_280 = tpu.memref_squeeze %dma_wait3A_279 : memref<1x1x224x224xf32, #tpu.memory_space<hbm>> -> memref<224x224xf32, #tpu.memory_space<hbm>>
    tpu.wait_dma2 semaphore(%arg9 : memref<!tpu.dma_semaphore, #tpu.memory_space<semaphore_mem>>) src(%arg5 : memref<224x224xf32, #tpu.memory_space<vmem>>) dst(%dma_wait3A_280 : memref<224x224xf32, #tpu.memory_space<hbm>>)
    %dma_wait3A_281 = arith.constant 0 : i32
    %dma_wait3A_282 = arith.constant 0 : i32
    %dma_wait3A_283 = tpu.memref_slice %arg3[%select_n3A_152, %select_n3A_168, %dma_wait3A_281, %dma_wait3A_282] : memref<3x32x224x224xf32, #tpu.memory_space<hbm>> -> memref<1x1x224x224xf32, #tpu.memory_space<hbm>>
    %dma_wait3A_284 = tpu.memref_squeeze %dma_wait3A_283 : memref<1x1x224x224xf32, #tpu.memory_space<hbm>> -> memref<224x224xf32, #tpu.memory_space<hbm>>
    %dma_wait3A_285 = arith.constant 0 : i32
    %dma_wait3A_286 = arith.constant 0 : i32
    %dma_wait3A_287 = tpu.memref_slice %arg3[%select_n3A_152, %select_n3A_168, %dma_wait3A_285, %dma_wait3A_286] : memref<3x32x224x224xf32, #tpu.memory_space<hbm>> -> memref<1x1x224x224xf32, #tpu.memory_space<hbm>>
    %dma_wait3A_288 = tpu.memref_squeeze %dma_wait3A_287 : memref<1x1x224x224xf32, #tpu.memory_space<hbm>> -> memref<224x224xf32, #tpu.memory_space<hbm>>
    tpu.wait_dma2 semaphore(%arg8 : memref<!tpu.dma_semaphore, #tpu.memory_space<semaphore_mem>>) src(%arg4 : memref<224x224xf32, #tpu.memory_space<vmem>>) dst(%dma_wait3A_288 : memref<224x224xf32, #tpu.memory_space<hbm>>)
    return
  }
}

</mosaic_0001>

<sc_bundles>
// kernel: kernel.3.cloned.1.call-start
scs
__scs_entry_jumppad:
0x0: {  	(pc) =	sbr.rel $0x88, $3  }
0x1: {  	(tag) =	ssettag $0x0;
	lr =	simm.s32 $0x1  }
0x2: {  	[smem:$0x3FA0] =	sst lr;
	_ =	strace $0xD0000000  }
0x3: {  	_ = 	snop  }
0x4: {  	_ = 	snop  }
0x5: {  	_ = 	snop  }
0x6: {  	_ = 	snop  }
0x7: {  	_ = 	snop  }
__scs_overlays_trampoline_lowered:
0x8: {  	[smem:$0x3FAF] =	sst s0  }
0x9: {  	[smem:$0x3FB0] =	sst s1  }
0xa: {  	[smem:$0x3FB1] =	sst s2  }
0xb: {  	[smem:$0x3FB2] =	sst s3  }
0xc: {  	[smem:$0x3FB3] =	sst s4  }
0xd: {  	[smem:$0x3FB4] =	sst s5  }
0xe: {  	[smem:$0x3FB5] =	sst s6  }
0xf: {  	[smem:$0x3FB6] =	sst s7  }
0x10: {  	[smem:$0x3FB7] =	sst s8  }
0x11: {  	[smem:$0x3FB8] =	sst s9;
	s0 =	simm.s32 @!p0 $0x0  }
0x12: {  	s1 =	sld [smem:$0x3F9E];
	s0 =	simm.s32 @p0 $0x1  }
0x13: {  	[smem:$0x3FB9] =	sst s0;
	s0 =	simm.s32 @!p1 $0x0  }
0x14: {  	s2 =	sld [smem:$0x3F9D];
	s0 =	simm.s32 @p1 $0x1  }
0x15: {  	[smem:$0x3FBA] =	sst s0;
	s0 =	simm.s32 @!p2 $0x0  }
0x16: {  	s3 =	sld [smem:$0x3FDB];
	s0 =	simm.s32 @p2 $0x1  }
0x17: {  	s4 =	simm.s32 $0x1BF5;
	[smem:$0x3FBC] =	sst s0  }
0x18: {  	s0 =	sld [smem:$0x3F9F];
	_ =	swait.ge [sflag:s4], $0x0  }
0x19: {  	s7 =	sld [smem:$0x3FA0]  }
0x1a: {  	s8 =	sadd.s32 $0xFFFFE003, lr  }
0x1b: {  	s9 =	sadd.s32 $0xFFFFFEF7, lr;
	s5 =	simm.s32 $0xFFFFFFFF;
	p2 =	slt.u32 s8, $0xFFFFF086  }
0x1c: {  	p1 =	slt.u32 s9, $0xF7A;
	s5 =	simm.s32 @!p2 $0x0  }
0x1d: {  	s5 =	simm.s32 @p1 $0x1;
	p0 =	seq.s32 s7, s2  }
0x1e: {  	s7 =	smul.u32 @!p0 $0xF7A, s2;
	p2 =	seq.s32 @!p0 s5, $0x0  }
0x1f: {  	s9 =	smul.u32 $0xF7A, s1;
	s8 =	simm.s32 @!p0 $0x1BF5;
	p2 =	por !p2, p0  }
0x20: {  	[sflag:s8] =	ssyncset.s32 @!p0 $0xFFFFF086;
	s6 =	sadd.s32 @!p0 s3, s7;
	s7 =	simm.s32 @!p0 $0x108  }
0x21: {  	s3 =	sadd.s32 s3, s9;
	s6 =	sadd.s32 @!p0 $0x88, s6;
	s7 =	simm.s32 @p2 $0x1082  }
0x22: {  	[simem:s7], [sflag:s8] =	dma.local @!p0 [hbm:s6], $0xF7A  }
0x23: {  	s9 =	sor.u32 $0xD0000000, s2;
	s6 =	simm.s32 $0x108;
	_ =	swait.ge @!p0 [sflag:s8], $0x0  }
0x24: {  	s3 =	sadd.s32 $0x88, s3;
	s6 =	simm.s32 @!p1 $0x1082;
	[sflag:s4] =	ssyncset.s32 $0xFFFFF086  }
0x25: {  	[simem:s6], [sflag:s4] =	dma.local [hbm:s3], $0xF7A  }
0x26: {  	[smem:$0x3FA0] =	sst s1;
	(tag) =	ssettag s2;
	_ =	strace s9  }
0x27: {  	s1 =	sld [smem:$0x3FB0]  }
0x28: {  	s2 =	sld [smem:$0x3FB1]  }
0x29: {  	s4 =	sld [smem:$0x3FB3]  }
0x2a: {  	p0 =	seq.s32 s5, $0x0;
	s5 =	sld [smem:$0x3FB4]  }
0x2b: {  	s6 =	sld [smem:$0x3FB5]  }
0x2c: {  	s7 =	sld [smem:$0x3FB6]  }
0x2d: {  	s3 =	simm.s32 $0x108;
	s8 =	sld [smem:$0x3FB7]  }
0x2e: {  	s3 =	simm.s32 @!p0 $0x1082;
	s9 =	sld [smem:$0x3FB8]  }
0x2f: {  	lr =	sadd.s32 s0, s3;
	s0 =	sld [smem:$0x3FAF]  }
0x30: {  	s3 =	sld [smem:$0x3FB2]  }
0x31: {  	[smem:$0x3FBB] =	sst s10  }
0x32: {  	s10 =	sld [smem:$0x3FB9];
	_ =	sdelay $0x3  }
0x33: {  	p0 =	seq.s32 s10, $0x1;
	s10 =	sld [smem:$0x3FBB];
	_ =	sdelay $0x3  }
0x34: {  	[smem:$0x3FBB] =	sst s10  }
0x35: {  	s10 =	sld [smem:$0x3FBA];
	_ =	sdelay $0x3  }
0x36: {  	p1 =	seq.s32 s10, $0x1;
	s10 =	sld [smem:$0x3FBB];
	_ =	sdelay $0x3  }
0x37: {  	[smem:$0x3FBB] =	sst s10  }
0x38: {  	s10 =	sld [smem:$0x3FBC]  }
0x39: {  	_ = 	snop;
	(pc) =	sbr.ind lr, $3  }
0x3a: {  	_ = 	snop  }
0x3b: {  	_ = 	snop  }
0x3c: {  	p2 =	seq.s32 s10, $0x1;
	s10 =	sld [smem:$0x3FBB]  }
0x3d: {  	_ =	shalt  }
0x3e: {  	_ =	shalt  }
0x3f: {  	_ =	shalt  }
0x40: {  	_ =	shalt  }
0x41: {  	_ =	shalt  }
0x42: {  	_ =	shalt  }
0x43: {  	_ =	shalt  }
0x44: {  	_ =	shalt  }
0x45: {  	_ =	shalt  }
0x46: {  	_ =	shalt  }
0x47: {  	_ =	shalt  }
0x48: {  	_ =	shalt  }
0x49: {  	_ =	shalt  }
0x4a: {  	_ =	shalt  }
0x4b: {  	_ =	shalt  }
0x4c: {  	_ =	shalt  }
0x4d: {  	_ =	shalt  }
0x4e: {  	_ =	shalt  }
0x4f: {  	_ =	shalt  }
0x50: {  	_ =	shalt  }
0x51: {  	_ =	shalt  }
0x52: {  	_ =	shalt  }
0x53: {  	_ =	shalt  }
0x54: {  	_ =	shalt  }
0x55: {  	_ =	shalt  }
0x56: {  	_ =	shalt  }
0x57: {  	_ =	shalt  }
0x58: {  	_ =	shalt  }
0x59: {  	_ =	shalt  }
0x5a: {  	_ =	shalt  }
0x5b: {  	_ =	shalt  }
0x5c: {  	_ =	shalt  }
0x5d: {  	_ =	shalt  }
0x5e: {  	_ =	shalt  }
0x5f: {  	_ =	shalt  }
0x60: {  	_ =	shalt  }
0x61: {  	_ =	shalt  }
0x62: {  	_ =	shalt  }
0x63: {  	_ =	shalt  }
0x64: {  	_ =	shalt  }
0x65: {  	_ =	shalt  }
0x66: {  	_ =	shalt  }
0x67: {  	_ =	shalt  }
0x68: {  	_ =	shalt  }
0x69: {  	_ =	shalt  }
0x6a: {  	_ =	shalt  }
0x6b: {  	_ =	shalt  }
0x6c: {  	_ =	shalt  }
0x6d: {  	_ =	shalt  }
0x6e: {  	_ =	shalt  }
0x6f: {  	_ =	shalt  }
0x70: {  	_ =	shalt  }
0x71: {  	_ =	shalt  }
0x72: {  	_ =	shalt  }
0x73: {  	_ =	shalt  }
0x74: {  	_ =	shalt  }
0x75: {  	_ =	shalt  }
0x76: {  	_ =	shalt  }
0x77: {  	_ =	shalt  }
0x78: {  	_ =	shalt  }
0x79: {  	_ =	shalt  }
0x7a: {  	_ =	shalt  }
0x7b: {  	_ =	shalt  }
0x7c: {  	_ =	shalt  }
0x7d: {  	_ =	shalt  }
0x7e: {  	_ =	shalt  }
0x7f: {  	_ =	shalt  }
0x80: {  	_ =	shalt  }
0x81: {  	_ =	shalt  }
0x82: {  	_ =	shalt  }
0x83: {  	_ =	shalt  }
0x84: {  	_ =	shalt  }
0x85: {  	_ =	shalt  }
0x86: {  	_ =	shalt  }
0x87: {  	_ =	shalt  }
.Lfunc_end0:
.L_simem_size_0:
called_computation_lowered:
.L_overlay_start_0:
0x88: {  	s2 =	sld [smem:$0x3FD9]  }
0x89: {  	s3 =	sld [smem:$0x3FFE];
	_ =	sdelay $0x1  }
0x8a: {  	s1 =	srdreg.scid  }
0x8b: {  	s0 =	sand.u32 $0x1, s1  }
0x8c: {  	s18 =	sshll.u32 s0, $0xA;
	s2 =	sadd.s32 s3, s2  }
0x8d: {  	s2 =	sadd.s32 s2, s18  }
0x8e: {  	[smem:$0x3FC7] =	sst s2  }
0x8f: {  	_ = 	snop  }
0x90: {  	s2 =	sld [smem:$0x3FC9]  }
0x91: {  	s19 =	sld [smem:$0x3FD0];
	(tm) =	ssettm $0x1  }
0x92: {  	s4 =	sld [smem:$0x3FFB];
	_ =	sdelay $0x3  }
0x93: {  	_ =	strace s4  }
0x94: {  	s4 =	sld [smem:$0x3FFC];
	_ =	sdelay $0x3  }
0x95: {  	_ =	strace s4  }
0x96: {  	s4 =	sld [smem:$0x3FFD];
	_ =	sdelay $0x3  }
0x97: {  	_ =	strace s4  }
0x98: {  	_ =	strace $0x8FFFFFFF  }
0x99: {  	s20 =	sld [smem:$0x3FDB];
	_ =	sdelay $0x1  }
0x9a: {  	s5 =	simm.s32 $_scs_section_size  }
0x9b: {  	s6 =	simm.s32 $_size__tile_overlayer_lowered;
	s7 =	simm.s32 $_tile_overlayer_lowered  }
0x9c: {  	s23 =	simm.s32 $0x1BFF;
	s22 =	sshll.u32 s7, $0x1;
	s4 =	sadd.s32 s5, s20  }
0x9d: {  	s8 =	simm.s32 $0x0;
	s21 =	sshll.u32 s6, $0x1;
	s6 =	sadd.s32 s22, s4  }
0x9e: {  	[timem:s8], [sflag:s23] =	dma.local [hbm:s6], s21  }
0x9f: {  	_ =	swait.ge [sflag:s23], s21  }
0xa0: {  	s5 =	ssub.s32 $0x0, s21;
	[sflag:s23] =	ssyncset.done $0x0  }
0xa1: {  	[sflag:s23] =	ssyncadd.s32 s5;
	_ =	sdelay $0x1  }
0xa2: {  	s24 =	simm.s32 $0x1B8B  }
0xa3: {  	_ =	swait.ge [sflag:s24], $0x1  }
0xa4: {  	[sflag:s24] =	ssyncset.done $0x0  }
0xa5: {  	s25 =	simm.s32 $0x1B8E;
	[sflag:s24] =	ssyncadd.s32 $0xFFFFFFFF  }
0xa6: {  	s26 =	simm.s32 $execute0_lowered;
	[smem:$0x3FD2] =	sst s25  }
0xa7: {  	s5 =	sshll.u32 s26, $0x1;
	_ =	strace $0x80000046;
	[dreg:$0x1] =	wrdreg $0xFFFFFFFF  }
0xa8: {  	s28 =	simm.s32 $_size_execute0_lowered;
	s4 =	sadd.s32 s4, s5;
	[dreg:$0x0] =	wrdreg $0x0  }
0xa9: {  	s5 =	sshll.u32 s28, $0x1;
	[dreg:$0x2] =	wrdreg s4  }
0xaa: {  	[dreg:$0x3] =	wrdreg s5  }
0xab: {  	[dreg:$0x4] =	wrdreg $0xC0  }
0xac: {  	_ =	task [dreg:s8], $0x5FFFF  }
0xad: {  	[dreg:$0x1] =	wrdreg $0xFFFFFFFF  }
0xae: {  	[dreg:$0x0] =	wrdreg $0x60  }
0xaf: {  	[dreg:$0x2] =	wrdreg s2  }
0xb0: {  	[dreg:$0x3] =	wrdreg s19  }
0xb1: {  	[dreg:$0x4] =	wrdreg $0x9  }
0xb2: {  	_ =	task.clear_ibuf [dreg:s8], $0x5FFFF;
	_ =	strace $0x90000046  }
0xb3: {  	s29 =	simm.s32 $0x9;
	_ =	strace $0x80000048  }
0xb4: {  	_ =	swait.ge [sflag:s29], $0x1  }
0xb5: {  	[sflag:s29] =	ssyncadd.s32 $0xFFFFFFFF  }
0xb6: {  	_ =	strace $0x90000048  }
0xb7: {  	_ =	sfence  }
0xb8: {  	s30 =	sld [smem:$0x0];
	_ =	sdelay $0x2  }
0xb9: {  	s31 =	sshll.u32 s1, $0xD;
	s1 =	sshrl.u32 s1, $0x2  }
0xba: {  	s3 =	sand.u32 $0x4000, s31;
	s1 =	sadd.s32 s1, s30  }
0xbb: {  	s0 =	sor.u32 s3, s0;
	s1 =	sshll.u32 s1, $0x11  }
0xbc: {  	s0 =	sor.u32 s1, s0  }
0xbd: {  	s0 =	sadd.s32 $0x8F2B, s0  }
0xbe: {  	[sflag:s0] =	ssyncadd.remote.s32 $0x1  }
0xbf: {  	_ =	sfence.sel $0xFFFF  }
0xc0: {  	[dreg:$0x0] =	wrdreg $0xFFFFFFFF;
	(pc) =	sbr.abs _section_cstart, $3  }
0xc1: {  	[dreg:$0x1] =	wrdreg $0xFFFFFFFF  }
0xc2: {  	_ =	task.clear_ibuf [dreg:s8], $0x2FFFF;
	_ =	strace $0x9FFFFFFF  }
0xc3: {  	(tm) =	ssettm $0x7FFFFFFF  }
tec
execute0_lowered:
.L_overlay_start_1:
0x0: {  	(tag) =	ssettag $0x1  }
0x1: {  	s1 =	srdreg.scid;
	s0 =	stileid.u32  }
0x2: {  	s12 =	sand.u32 $0x1, s1;
	s16 =	sshll.u32 s0, $0x1  }
0x3: {  	s1 =	sor.u32 s12, s16  }
0x4: {  	s3 =	smul.u32 $0x3, s1;
	_ =	sdelay $0x1  }
0x5: {  	s4 =	sand.u32 $0x1F, s3  }
0x6: {  	s5 =	sshrl.u32 s3, $0x5;
	s17 =	smul.u32 $0x4D29DB, s4  }
0x7: {  	s6 =	smul.u32 $0x1068000, s5  }
0x8: {  	s2 =	sadd.s32 $0x1, s3;
	s5 =	smul.u32 $0x1C0000, s5  }
0x9: {  	s7 =	sand.u32 $0x1F, s2;
	s19 =	smul.u32 $0xE000, s4  }
0xa: {  	s11 =	rddreg [dreg:$0x0];
	s10 =	sshrl.u32 s2, $0x5;
	s9 =	smul.u32 $0x4D29DB, s7  }
0xb: {  	s13 =	rddreg [dreg:$0x1];
	s14 =	smul.u32 $0x1068000, s10  }
0xc: {  	s1 =	rddreg [dreg:$0x2];
	s24 =	smul.u32 $0x1C0000, s10  }
0xd: {  	s3 =	sadd.s32 $0x2, s3;
	s25 =	smul.u32 $0xE000, s7;
	s8 =	sshrl.u32 s17, $0x13  }
0xe: {  	s2 =	simm.s32 $0x0;
	s8 =	smul.u32 $0xE000, s8;
	s9 =	sshrl.u32 s9, $0x13  }
0xf: {  	s15 =	sshrl.u32 s3, $0x5;
	s20 =	sand.u32 $0x1F, s3;
	s9 =	smul.u32 $0xE000, s9  }
0x10: {  	[smem:$0x7FF] =	sst s2;
	s16 =	smul.u32 $0x4D29DB, s20;
	s6 =	sadd.s32 s6, s8  }
0x11: {  	_ =	strace $0x80000047;
	s18 =	sadd.s32 s14, s9;
	s21 =	sshrl.u32 s6, $0x3  }
0x12: {  	s23 =	sadd.s32 s19, s5;
	s22 =	sshrl.u32 s18, $0x3;
	s3 =	sadd.s32 s11, s21  }
0x13: {  	[tilespmem:s2], [sflag:$0x1] =	stream.linear.gather [hbm4b:s3+s2], $0xE000, $0x38;
	[tilespmem:$0x1C000] =	vst v63  }
0x14: {  	s5 =	simm.s32 $0xE000;
	s6 =	simm.s32 $0x1;
	s4 =	sadd.s32 s11, s22  }
0x15: {  	[tilespmem:s5], [sflag:$0x2] =	stream.linear.gather [hbm4b:s4+s2], $0xE000, $0x38;
	[tilespmem:$0x1C000] =	vst v63  }
0x16: {  	s29 =	ssub.s32 $0x2, s12;
	s28 =	smul.u32 $0x1068000, s15;
	_ =	swait.ge [sflag:s6], $0xE000  }
0x17: {  	s10 =	simm.s32 $0x3;
	s8 =	sshrl.u32 s23, $0x3;
	[sflag:s6] =	ssyncset.done $0x0  }
0x18: {  	s7 =	sadd.s32 s13, s8;
	s8 =	simm.s32 $0x2;
	[sflag:s6] =	ssyncadd.s32 $0xFFFF2000  }
0x19: {  	[hbm4b:s7+s2] =	stream.linear.scatter [tilespmem:s2], [sflag:$0x3], $0xE000, $0x38;
	[tilespmem:$0x1C000] =	vst v63  }
0x1a: {  	s15 =	smul.u32 $0x1C0000, s15;
	s9 =	sadd.s32 s25, s24;
	_ =	swait.ge [sflag:s8], $0xE000  }
0x1b: {  	s26 =	sshrl.u32 s16, $0x13;
	s9 =	sshrl.u32 s9, $0x3;
	[sflag:s8] =	ssyncset.done $0x0  }
0x1c: {  	s17 =	smul.u32 $0xE000, s26;
	s9 =	sadd.s32 s13, s9;
	[sflag:s8] =	ssyncadd.s32 $0xFFFF2000  }
0x1d: {  	[hbm4b:s9+s2] =	stream.linear.scatter [tilespmem:s5], [sflag:$0x4], $0xE000, $0x38;
	[tilespmem:$0x1C000] =	vst v63  }
0x1e: {  	s16 =	sadd.s32 s28, s17;
	s14 =	smul.u32 $0xE000, s20;
	_ =	swait.ge [sflag:s10], $0xE000  }
0x1f: {  	s31 =	sshrl.u32 s29, $0x1;
	s16 =	sshrl.u32 s16, $0x3;
	[sflag:s10] =	ssyncset.done $0x0  }
0x20: {  	s11 =	sadd.s32 s11, s16;
	s14 =	sadd.s32 s14, s15;
	[sflag:s10] =	ssyncadd.s32 $0xFFFF2000  }
0x21: {  	[tilespmem:s2], [sflag:$0x1] =	stream.linear.gather [hbm4b:s11+s2], $0xE000, $0x38;
	[tilespmem:$0x1C000] =	vst v63  }
0x22: {  	s30 =	sshrl.u32 s14, $0x3;
	s14 =	ssub.s32 s29, s31;
	_ =	swait.ge [sflag:s6], $0xE000  }
0x23: {  	s12 =	sadd.s32 s13, s30;
	s14 =	smax.u32 s14, $0x1;
	[sflag:s6] =	ssyncset.done $0x0  }
0x24: {  	s13 =	simm.s32 $0x4;
	p0 =	sne.s32 s14, $0x1;
	[sflag:s6] =	ssyncadd.s32 $0xFFFF2000  }
0x25: {  	[hbm4b:s12+s2] =	stream.linear.scatter [tilespmem:s2], [sflag:$0x3], $0xE000, $0x38;
	[tilespmem:$0x1C000] =	vst v63  }
.Ltmp0:
0x26: {  	_ =	swait.ge [sflag:s13], $0xE000;
	(pc) =	sbr.rel @!p0 .LBB2_2-.Ltmp0, $4  }
0x27: {  	[sflag:s13] =	ssyncset.done $0x0  }
0x28: {  	[sflag:s13] =	ssyncadd.s32 $0xFFFF2000  }
0x29: {  	_ =	swait.ge [sflag:s10], $0xE000  }
0x2a: {  	s14 =	sadd.s32 $0xFFFFFFFF, s14;
	[sflag:s10] =	ssyncset.done $0x0  }
.LBB2_1:
0x2b: {  	p0 =	sne.s32 s14, $0x1;
	s14 =	sadd.s32 $0xFFFFFFFF, s14;
	[sflag:s10] =	ssyncadd.s32 $0xFFFF2000  }
0x2c: {  	[tilespmem:s2], [sflag:$0x1] =	stream.linear.gather [hbm4b:s3+s2], $0xE000, $0x38;
	[tilespmem:$0x1C000] =	vst v63  }
0x2d: {  	_ = 	snop  }
0x2e: {  	[tilespmem:s5], [sflag:$0x2] =	stream.linear.gather [hbm4b:s4+s2], $0xE000, $0x38;
	[tilespmem:$0x1C000] =	vst v63  }
0x2f: {  	_ =	swait.ge [sflag:s6], $0xE000  }
0x30: {  	[sflag:s6] =	ssyncset.done $0x0  }
0x31: {  	[sflag:s6] =	ssyncadd.s32 $0xFFFF2000  }
0x32: {  	[hbm4b:s7+s2] =	stream.linear.scatter [tilespmem:s2], [sflag:$0x3], $0xE000, $0x38;
	[tilespmem:$0x1C000] =	vst v63  }
0x33: {  	_ =	swait.ge [sflag:s8], $0xE000  }
0x34: {  	[sflag:s8] =	ssyncset.done $0x0  }
0x35: {  	[sflag:s8] =	ssyncadd.s32 $0xFFFF2000  }
0x36: {  	[hbm4b:s9+s2] =	stream.linear.scatter [tilespmem:s5], [sflag:$0x4], $0xE000, $0x38;
	[tilespmem:$0x1C000] =	vst v63  }
0x37: {  	_ =	swait.ge [sflag:s10], $0xE000  }
0x38: {  	[sflag:s10] =	ssyncset.done $0x0  }
0x39: {  	[sflag:s10] =	ssyncadd.s32 $0xFFFF2000  }
0x3a: {  	[tilespmem:s2], [sflag:$0x1] =	stream.linear.gather [hbm4b:s11+s2], $0xE000, $0x38;
	[tilespmem:$0x1C000] =	vst v63  }
0x3b: {  	_ =	swait.ge [sflag:s6], $0xE000  }
0x3c: {  	[sflag:s6] =	ssyncset.done $0x0  }
0x3d: {  	[sflag:s6] =	ssyncadd.s32 $0xFFFF2000  }
0x3e: {  	[hbm4b:s12+s2] =	stream.linear.scatter [tilespmem:s2], [sflag:$0x3], $0xE000, $0x38;
	[tilespmem:$0x1C000] =	vst v63  }
.Ltmp1:
0x3f: {  	_ =	swait.ge [sflag:s13], $0xE000;
	(pc) =	sbr.rel @p0 .LBB2_1-.Ltmp1, $4  }
0x40: {  	[sflag:s13] =	ssyncset.done $0x0  }
0x41: {  	[sflag:s13] =	ssyncadd.s32 $0xFFFF2000  }
0x42: {  	_ =	swait.ge [sflag:s10], $0xE000  }
0x43: {  	[sflag:s10] =	ssyncset.done $0x0  }
.LBB2_2:
0x44: {  	[sflag:s10] =	ssyncadd.s32 $0xFFFF2000  }
0x45: {  	_ =	sfence.sel $0x180000  }
0x46: {  	[bflag:$0x0] =	sbarrier.arrive $0xFFFF  }
0x47: {  	p0 =	sne.s32 s0, $0x0;
	_ =	strace $0x90000047  }
0x48: {  	s0 =	sadd.s32 @!p0 $0x100000, s1;
	[bflag:$0x2] =	sbarrier.arrive $0xFFFF  }
0x49: {  	[sflag:s0] =	ssyncadd.tile.s32 @!p0 $0x1;
	_ =	shalt  }
.Lfunc_end2:
_tile_overlayer_lowered:
.L_overlay_start_2:
0x4a: {  	(tag) =	ssettag $0x2  }
0x4b: {  	s0 =	rddreg [dreg:$0x0];
	s2 =	stileid.u32  }
0x4c: {  	s1 =	rddreg [dreg:$0x1];
	p0 =	sne.s32 s2, $0x0  }
0x4d: {  	s3 =	rddreg [dreg:$0x2];
	[bflag:$0x3] =	sbarrier.arrive $0xFFFF;
	s2 =	simm.s32 @!p0 $0x1C05  }
0x4e: {  	[timem:s3], [sflag:s2] =	dma.local @!p0 [hbm:s0], s1  }
0x4f: {  	s0 =	simm.s32 @!p0 $0x5  }
0x50: {  	_ =	swait.ge @!p0 [sflag:s0], s1  }
0x51: {  	s1 =	ssub.s32 @!p0 $0x0, s1;
	[sflag:s0] =	ssyncset.done @!p0 $0x0  }
0x52: {  	[sflag:s0] =	ssyncadd.s32 @!p0 s1  }
0x53: {  	[bflag:$0x3] =	sbarrier.arrive $0xFFFF  }
0x54: {  	_ =	shalt  }

</sc_bundles>
